<compile_context>
chip_gen: v7x
topology: tpu7x:2x2x1
jax: 0.10.2.dev20260603
libtpu: 0.0.44.dev20260713+nightly
codegen_flags: <defaults>
</compile_context>

<pallas_src>
import functools

import jax
import jax.numpy as jnp
from jax import lax
from jax.experimental import pallas as pl
from jax.experimental.pallas import tpu as pltpu
from jax.experimental.pallas import tpu_sc as plsc

N = 10000
NP = 10240
E = 320000
D = 128

NC = 2
NS = 16
NW = NC * NS
C = 128
CHUNKS = E // C
TPW = -(-CHUNKS // NW)
RPS = NP // NS

_mesh = plsc.VectorSubcoreMesh(core_axis_name="c", subcore_axis_name="s")



@jax.jit
def _sc_conv(g, src, dst, zeros):

    @functools.partial(
        pl.kernel,
        out_type=jax.ShapeDtypeStruct((NC, NP, D), jnp.float32),
        mesh=_mesh,
        scratch_types=[
            pltpu.VMEM((C,), jnp.int32),
            pltpu.VMEM((C,), jnp.int32),
            pltpu.VMEM((C, D), jnp.float32),
            pltpu.VMEM_SHARED((NP, D), jnp.float32),
        ],
    )
    def k(g_hbm, src_hbm, dst_hbm, z_hbm, out_hbm, si_v, di_v, rows_v, acc_sh):
        c = lax.axis_index("c")
        s = lax.axis_index("s")
        w = s * NC + c

        pltpu.sync_copy(z_hbm.at[pl.ds(s * RPS, RPS)],
                        acc_sh.at[pl.ds(s * RPS, RPS)])
        plsc.subcore_barrier()

        @pl.loop(0, TPW)
        def _(t):
            chunk = t * NW + w

            @pl.when(chunk < CHUNKS)
            def _():
                base = chunk * C
                pltpu.sync_copy(src_hbm.at[pl.ds(base, C)], si_v)
                pltpu.sync_copy(dst_hbm.at[pl.ds(base, C)], di_v)
                pltpu.sync_copy(g_hbm.at[si_v], rows_v)
                pltpu.sync_copy(rows_v, acc_sh.at[di_v], add=True)

        plsc.subcore_barrier()
        pltpu.sync_copy(acc_sh.at[pl.ds(s * RPS, RPS)],
                        out_hbm.at[c, pl.ds(s * RPS, RPS)])

    return k(g, src, dst, zeros)



@jax.jit
def _sc_deg(ones_c, dst, zeros):

    @functools.partial(
        pl.kernel,
        out_type=jax.ShapeDtypeStruct((NC, NP, D), jnp.float32),
        mesh=_mesh,
        scratch_types=[
            pltpu.VMEM((C,), jnp.int32),
            pltpu.VMEM((C, D), jnp.float32),
            pltpu.VMEM_SHARED((NP, D), jnp.float32),
        ],
    )
    def k(ones_hbm, dst_hbm, z_hbm, out_hbm, di_v, rows_v, acc_sh):
        c = lax.axis_index("c")
        s = lax.axis_index("s")
        w = s * NC + c

        pltpu.sync_copy(ones_hbm, rows_v)

        pltpu.sync_copy(z_hbm.at[pl.ds(s * RPS, RPS)],
                        acc_sh.at[pl.ds(s * RPS, RPS)])
        plsc.subcore_barrier()

        @pl.loop(0, TPW)
        def _(t):
            chunk = t * NW + w

            @pl.when(chunk < CHUNKS)
            def _():
                pltpu.sync_copy(dst_hbm.at[pl.ds(chunk * C, C)], di_v)
                pltpu.sync_copy(rows_v, acc_sh.at[di_v], add=True)

        plsc.subcore_barrier()
        pltpu.sync_copy(acc_sh.at[pl.ds(s * RPS, RPS)],
                        out_hbm.at[c, pl.ds(s * RPS, RPS)])

    return k(ones_c, dst, zeros)



def _mm_t(a, w):
    return lax.dot_general(a, w, (((1,), (1,)), ((), ())),
                           preferred_element_type=jnp.float32)


@jax.jit
def _tc_pre(x, W_pre, b_pre2, W1):
    def body(x_ref, wp_ref, bp_ref, w1_ref, o_ref):
        h = _mm_t(x_ref[...], wp_ref[...]) + bp_ref[...]
        o_ref[...] = _mm_t(h, w1_ref[...])
    return pl.pallas_call(
        body, out_shape=jax.ShapeDtypeStruct((N, D), jnp.float32),
    )(x, W_pre, b_pre2, W1)


@jax.jit
def _tc_norms(degp, m1):
    def body(p_ref, m_ref, g_ref, dv_ref):
        deg = 1.0 + p_ref[0, :N, :1] + p_ref[1, :N, :1]
        dinv = lax.rsqrt(deg)
        dv = jnp.broadcast_to(dinv, (N, D))
        dv_ref[...] = dv
        g_ref[...] = dv * m_ref[...]
    return pl.pallas_call(
        body,
        out_shape=(jax.ShapeDtypeStruct((N, D), jnp.float32),
                   jax.ShapeDtypeStruct((N, D), jnp.float32)),
    )(degp, m1)


@jax.jit
def _tc_mid(acc1, m1, dv, b1_2, W2):
    def body(a_ref, m_ref, dv_ref, b_ref, w2_ref, g_ref, m2_ref):
        dv = dv_ref[...]
        conv = dv * (a_ref[0, :N] + a_ref[1, :N]) + dv * dv * m_ref[...] + b_ref[...]
        out1 = jnp.maximum(conv, 0.0)
        m2 = _mm_t(out1, w2_ref[...])
        m2_ref[...] = m2
        g_ref[...] = dv * m2
    return pl.pallas_call(
        body,
        out_shape=(jax.ShapeDtypeStruct((N, D), jnp.float32),
                   jax.ShapeDtypeStruct((N, D), jnp.float32)),
    )(acc1, m1, dv, b1_2, W2)


@jax.jit
def _tc_final(acc2, m2, dv, b2_2):
    def body(a_ref, m_ref, dv_ref, b_ref, o_ref):
        dv = dv_ref[...]
        h = dv * (a_ref[0, :N] + a_ref[1, :N]) + dv * dv * m_ref[...] + b_ref[...]
        nrm = jnp.sqrt(jnp.sum(h * h, axis=-1, keepdims=True))
        o_ref[...] = h / jnp.maximum(nrm, 1e-12)
    return pl.pallas_call(
        body, out_shape=jax.ShapeDtypeStruct((N, D), jnp.float32),
    )(acc2, m2, dv, b2_2)


def kernel(x, edge_index, W_pre, b_pre, W1, b1, W2, b2):
    src = edge_index[0].astype(jnp.int32)
    dst = edge_index[1].astype(jnp.int32)
    zeros = jnp.zeros((NP, D), jnp.float32)
    ones_c = jnp.ones((C, D), jnp.float32)

    degp = _sc_deg(ones_c, dst, zeros)
    m1 = _tc_pre(x, W_pre, b_pre.reshape(1, D), W1)
    g1, dv = _tc_norms(degp, m1)
    acc1 = _sc_conv(g1, src, dst, zeros)
    g2, m2 = _tc_mid(acc1, m1, dv, b1.reshape(1, D), W2)
    acc2 = _sc_conv(g2, src, dst, zeros)
    return _tc_final(acc2, m2, dv, b2.reshape(1, D))

# --- scband reference (transcript-rebuilt; emitter-appended) ---
"""Pipeline reference for scband-gcn-64982855188863 (READ-ONLY COPY).

The authoritative reference and input builder live on the scoring server;
editing this copy changes nothing except your own understanding.
"""

import jax, jax.numpy as jnp
import numpy as np

N = 10000
E = 320000
D = 128

def gcn_conv(x, src, dst, W, b, n):
    # PyG GCNConv: x' = W x (no bias in lin), add self loops, symmetric norm, scatter-add at dst, + bias
    h = x @ W.T
    loop = jnp.arange(n, dtype=src.dtype)
    s = jnp.concatenate([src, loop])
    d = jnp.concatenate([dst, loop])
    ew = jnp.ones(s.shape[0], dtype=x.dtype)
    deg = jax.ops.segment_sum(ew, d, num_segments=n)
    dinv = jnp.where(deg > 0, deg ** -0.5, 0.0)
    norm = dinv[s] * dinv[d]
    msg = norm[:, None] * h[s]
    out = jnp.zeros((n, W.shape[0]), dtype=x.dtype).at[d].add(msg)
    return out + b

def setup_inputs(seed: int = 0) -> dict:
    key = jax.random.key(seed)
    k = jax.random.split(key, 8)
    x = jax.random.normal(k[0], (N, D), dtype=jnp.float32)
    edge_index = jax.random.randint(k[1], (2, E), 0, N, dtype=jnp.int64)
    sc = 1.0 / np.sqrt(D)
    W_pre = jax.random.uniform(k[2], (D, D), jnp.float32, -sc, sc)
    b_pre = jax.random.uniform(k[3], (D,), jnp.float32, -sc, sc)
    W1 = jax.random.uniform(k[4], (D, D), jnp.float32, -sc, sc)
    b1 = jnp.zeros((D,), jnp.float32)
    W2 = jax.random.uniform(k[5], (D, D), jnp.float32, -sc, sc)
    b2 = jnp.zeros((D,), jnp.float32)
    return {"x": x, "edge_index": edge_index, "W_pre": W_pre, "b_pre": b_pre, "W1": W1, "b1": b1, "W2": W2, "b2": b2}

def reference(x, edge_index, W_pre, b_pre, W1, b1, W2, b2):
    src = edge_index[0]
    dst = edge_index[1]
    # feature_pre: linear
    h = x @ W_pre.T + b_pre
    # conv_first
    h = gcn_conv(h, src, dst, W1, b1, N)
    h = jax.nn.relu(h)
    # dropout is identity in eval mode; layer_num=2 -> no hidden convs
    # conv_out
    h = gcn_conv(h, src, dst, W2, b2, N)
    # L2 normalize (eps=1e-12 as in torch F.normalize)
    nrm = jnp.sqrt(jnp.sum(h * h, axis=-1, keepdims=True))
    h = h / jnp.maximum(nrm, 1e-12)
    return h

if __name__ == "__main__":
    import jax
    _d = setup_inputs()
    print(jax.jit(kernel)(*tuple(_d.values())))

</pallas_src>

<mosaic_0001>
#map = affine_map<(d0, d1) -> (0, 0)>
#map1 = affine_map<(d0, d1) -> (0)>
#map2 = affine_map<(d0, d1) -> (0, 0, 0)>
module attributes {stable_mosaic.version = 14 : i64} {
  func.func @k(%arg0: i32, %arg1: i32, %arg2: memref<128x128xf32, #tpu.memory_space<hbm>>, %arg3: memref<320000xi32, #tpu.memory_space<hbm>>, %arg4: memref<10240x128xf32, #tpu.memory_space<hbm>>, %arg5: memref<2x10240x128xf32, #tpu.memory_space<hbm>>, %arg6: memref<128xi32, #tpu.memory_space<vmem>>, %arg7: memref<128x128xf32, #tpu.memory_space<vmem>>, %arg8: memref<10240x128xf32, #tpu.memory_space<vmem_shared>>) attributes {dimension_semantics = [#tpu.dimension_semantics<core_parallel>, #tpu.dimension_semantics<subcore_parallel>], iteration_bounds = array<i64: 2, 16>, scalar_prefetch = 0 : i64, scratch_operands = 3 : i64, tpu.core_type = #tpu.core_type<sc_vector_subcore>, window_params = [{transform_indices = #map}, {transform_indices = #map1}, {transform_indices = #map}, {transform_indices = #map2}]} {
    %mul3A = arith.constant 2 : i32
    %mul3A_0 = arith.muli %arg1, %mul3A : i32
    %add3A = arith.addi %mul3A_0, %arg0 : i32
    "tpu.region"() ({
      %run_scoped3A = tpu.sem_alloc : memref<!tpu.dma_semaphore, #tpu.memory_space<semaphore_mem>>
      tpu.enqueue_dma source(%arg2 : memref<128x128xf32, #tpu.memory_space<hbm>>) target(%arg7 : memref<128x128xf32, #tpu.memory_space<vmem>>) target_semaphore(%run_scoped3A : memref<!tpu.dma_semaphore, #tpu.memory_space<semaphore_mem>>)
      tpu.wait_dma2 semaphore(%run_scoped3A : memref<!tpu.dma_semaphore, #tpu.memory_space<semaphore_mem>>) src(%arg2 : memref<128x128xf32, #tpu.memory_space<hbm>>) dst(%arg7 : memref<128x128xf32, #tpu.memory_space<vmem>>)
      tpu.yield
    }) : () -> ()
    %mul3A_1 = arith.constant 640 : i32
    %mul3A_2 = arith.muli %arg1, %mul3A_1 : i32
    %mul3A_3 = arith.constant 640 : i32
    %mul3A_4 = arith.muli %arg1, %mul3A_3 : i32
    "tpu.region"() ({
      %run_scoped3A = tpu.sem_alloc : memref<!tpu.dma_semaphore, #tpu.memory_space<semaphore_mem>>
      %dma_start3A = arith.constant 0 : i32
      %dma_start3A_14 = tpu.memref_slice %arg8[%mul3A_4, %dma_start3A] : memref<10240x128xf32, #tpu.memory_space<vmem_shared>> -> memref<640x128xf32, #tpu.memory_space<vmem_shared>>
      %dma_start3A_15 = arith.constant 0 : i32
      %dma_start3A_16 = tpu.memref_slice %arg4[%mul3A_2, %dma_start3A_15] : memref<10240x128xf32, #tpu.memory_space<hbm>> -> memref<640x128xf32, #tpu.memory_space<hbm>>
      tpu.enqueue_dma source(%dma_start3A_16 : memref<640x128xf32, #tpu.memory_space<hbm>>) target(%dma_start3A_14 : memref<640x128xf32, #tpu.memory_space<vmem_shared>>) target_semaphore(%run_scoped3A : memref<!tpu.dma_semaphore, #tpu.memory_space<semaphore_mem>>)
      %dma_wait3A = arith.constant 0 : i32
      %dma_wait3A_17 = tpu.memref_slice %arg8[%mul3A_4, %dma_wait3A] : memref<10240x128xf32, #tpu.memory_space<vmem_shared>> -> memref<640x128xf32, #tpu.memory_space<vmem_shared>>
      %dma_wait3A_18 = arith.constant 0 : i32
      %dma_wait3A_19 = tpu.memref_slice %arg4[%mul3A_2, %dma_wait3A_18] : memref<10240x128xf32, #tpu.memory_space<hbm>> -> memref<640x128xf32, #tpu.memory_space<hbm>>
      tpu.wait_dma2 semaphore(%run_scoped3A : memref<!tpu.dma_semaphore, #tpu.memory_space<semaphore_mem>>) src(%dma_wait3A_19 : memref<640x128xf32, #tpu.memory_space<hbm>>) dst(%dma_wait3A_17 : memref<640x128xf32, #tpu.memory_space<vmem_shared>>)
      tpu.yield
    }) : () -> ()
    %barrier3A = arith.constant 0 : index
    tpu.barrier barrier_id(%barrier3A)
    %scan3A = arith.constant 0 : i32
    %scan3A_5 = arith.constant 79 : i32
    %scan3A_6 = arith.addi %scan3A, %scan3A_5 : i32
    %scan3A_7 = arith.constant 1 : i32
    scf.for %scan3A_14 = %scan3A to %scan3A_6 step %scan3A_7  : i32 {
      %mul3A_15 = arith.constant 1 : i32
      %mul3A_16 = arith.muli %scan3A_14, %mul3A_15 : i32
      %add3A_17 = arith.constant 0 : i32
      %add3A_18 = arith.addi %add3A_17, %mul3A_16 : i32
      %mul3A_19 = arith.constant 32 : i32
      %mul3A_20 = arith.muli %add3A_18, %mul3A_19 : i32
      %add3A_21 = arith.addi %mul3A_20, %add3A : i32
      %lt3A = arith.constant 2500 : i32
      %lt3A_22 = arith.cmpi slt, %add3A_21, %lt3A : i32
      %convert_element_type3A = arith.extui %lt3A_22 : i1 to i32
      %cond3A = arith.constant 0 : i32
      %cond3A_23 = arith.cmpi ne, %convert_element_type3A, %cond3A : i32
      scf.if %cond3A_23 {
        %mul3A_24 = arith.constant 128 : i32
        %mul3A_25 = arith.muli %add3A_21, %mul3A_24 : i32
        "tpu.region"() ({
          %run_scoped3A = tpu.sem_alloc : memref<!tpu.dma_semaphore, #tpu.memory_space<semaphore_mem>>
          %dma_start3A = tpu.memref_slice %arg3[%mul3A_25] : memref<320000xi32, #tpu.memory_space<hbm>> -> memref<128xi32, #tpu.memory_space<hbm>>
          %dma_start3A_26 = tpu.memref_slice %arg3[%mul3A_25] : memref<320000xi32, #tpu.memory_space<hbm>> -> memref<128xi32, #tpu.memory_space<hbm>>
          tpu.enqueue_dma source(%dma_start3A_26 : memref<128xi32, #tpu.memory_space<hbm>>) target(%arg6 : memref<128xi32, #tpu.memory_space<vmem>>) target_semaphore(%run_scoped3A : memref<!tpu.dma_semaphore, #tpu.memory_space<semaphore_mem>>)
          %dma_wait3A = tpu.memref_slice %arg3[%mul3A_25] : memref<320000xi32, #tpu.memory_space<hbm>> -> memref<128xi32, #tpu.memory_space<hbm>>
          %dma_wait3A_27 = tpu.memref_slice %arg3[%mul3A_25] : memref<320000xi32, #tpu.memory_space<hbm>> -> memref<128xi32, #tpu.memory_space<hbm>>
          tpu.wait_dma2 semaphore(%run_scoped3A : memref<!tpu.dma_semaphore, #tpu.memory_space<semaphore_mem>>) src(%dma_wait3A_27 : memref<128xi32, #tpu.memory_space<hbm>>) dst(%arg6 : memref<128xi32, #tpu.memory_space<vmem>>)
          tpu.yield
        }) : () -> ()
        "tpu.region"() ({
          %run_scoped3A = tpu.sem_alloc : memref<!tpu.dma_semaphore, #tpu.memory_space<semaphore_mem>>
          %dma_start3A = arith.constant 0 : i32
          %dma_start3A_26 = arith.constant 0 : i32
          %dma_start3A_27 = tpu.memref_slice %arg8[%dma_start3A, %dma_start3A_26] : memref<10240x128xf32, #tpu.memory_space<vmem_shared>> -> memref<10240x128xf32, #tpu.memory_space<vmem_shared>>
          tpu.enqueue_indirect_dma source(%arg7 : memref<128x128xf32, #tpu.memory_space<vmem>>) target(%dma_start3A_27 : memref<10240x128xf32, #tpu.memory_space<vmem_shared>>) offsets(%arg6 : memref<128xi32, #tpu.memory_space<vmem>>) semaphore(%run_scoped3A : memref<!tpu.dma_semaphore, #tpu.memory_space<semaphore_mem>>) {add = true}
          %dma_wait3A = arith.constant 0 : i32
          %dma_wait3A_28 = arith.constant 0 : i32
          %dma_wait3A_29 = tpu.memref_slice %arg8[%dma_wait3A, %dma_wait3A_28] : memref<10240x128xf32, #tpu.memory_space<vmem_shared>> -> memref<10240x128xf32, #tpu.memory_space<vmem_shared>>
          tpu.wait_indirect_dma semaphore(%run_scoped3A : memref<!tpu.dma_semaphore, #tpu.memory_space<semaphore_mem>>) src(%arg7 : memref<128x128xf32, #tpu.memory_space<vmem>>) dst(%dma_wait3A_29 : memref<10240x128xf32, #tpu.memory_space<vmem_shared>>)
          tpu.yield
        }) : () -> ()
      } else {
      }
    }
    %scan3A_8 = arith.constant 79 : i32
    %barrier3A_9 = arith.constant 0 : index
    tpu.barrier barrier_id(%barrier3A_9)
    %mul3A_10 = arith.constant 640 : i32
    %mul3A_11 = arith.muli %arg1, %mul3A_10 : i32
    %mul3A_12 = arith.constant 640 : i32
    %mul3A_13 = arith.muli %arg1, %mul3A_12 : i32
    "tpu.region"() ({
      %run_scoped3A = tpu.sem_alloc : memref<!tpu.dma_semaphore, #tpu.memory_space<semaphore_mem>>
      %dma_start3A = arith.constant 0 : i32
      %dma_start3A_14 = tpu.memref_slice %arg5[%arg0, %mul3A_13, %dma_start3A] : memref<2x10240x128xf32, #tpu.memory_space<hbm>> -> memref<1x640x128xf32, #tpu.memory_space<hbm>>
      %dma_start3A_15 = tpu.memref_squeeze %dma_start3A_14 : memref<1x640x128xf32, #tpu.memory_space<hbm>> -> memref<640x128xf32, #tpu.memory_space<hbm>>
      %dma_start3A_16 = arith.constant 0 : i32
      %dma_start3A_17 = tpu.memref_slice %arg8[%mul3A_11, %dma_start3A_16] : memref<10240x128xf32, #tpu.memory_space<vmem_shared>> -> memref<640x128xf32, #tpu.memory_space<vmem_shared>>
      tpu.enqueue_dma source(%dma_start3A_17 : memref<640x128xf32, #tpu.memory_space<vmem_shared>>) target(%dma_start3A_15 : memref<640x128xf32, #tpu.memory_space<hbm>>) target_semaphore(%run_scoped3A : memref<!tpu.dma_semaphore, #tpu.memory_space<semaphore_mem>>)
      %dma_wait3A = arith.constant 0 : i32
      %dma_wait3A_18 = tpu.memref_slice %arg5[%arg0, %mul3A_13, %dma_wait3A] : memref<2x10240x128xf32, #tpu.memory_space<hbm>> -> memref<1x640x128xf32, #tpu.memory_space<hbm>>
      %dma_wait3A_19 = tpu.memref_squeeze %dma_wait3A_18 : memref<1x640x128xf32, #tpu.memory_space<hbm>> -> memref<640x128xf32, #tpu.memory_space<hbm>>
      %dma_wait3A_20 = arith.constant 0 : i32
      %dma_wait3A_21 = tpu.memref_slice %arg8[%mul3A_11, %dma_wait3A_20] : memref<10240x128xf32, #tpu.memory_space<vmem_shared>> -> memref<640x128xf32, #tpu.memory_space<vmem_shared>>
      tpu.wait_dma2 semaphore(%run_scoped3A : memref<!tpu.dma_semaphore, #tpu.memory_space<semaphore_mem>>) src(%dma_wait3A_21 : memref<640x128xf32, #tpu.memory_space<vmem_shared>>) dst(%dma_wait3A_19 : memref<640x128xf32, #tpu.memory_space<hbm>>)
      tpu.yield
    }) : () -> ()
    return
  }
}

</mosaic_0001>

<sc_bundles>
// kernel: _sc_deg.3.cloned.1.call-start
scs
__scs_entry_jumppad:
0x0: {  	(pc) =	sbr.rel $0x88, $3  }
0x1: {  	(tag) =	ssettag $0x0;
	lr =	simm.s32 $0x1  }
0x2: {  	[smem:$0x3F9E] =	sst lr;
	_ =	strace $0xD0000000  }
0x3: {  	_ = 	snop  }
0x4: {  	_ = 	snop  }
0x5: {  	_ = 	snop  }
0x6: {  	_ = 	snop  }
0x7: {  	_ = 	snop  }
__scs_overlays_trampoline_lowered:
0x8: {  	[smem:$0x3FAD] =	sst s0  }
0x9: {  	[smem:$0x3FAE] =	sst s1  }
0xa: {  	[smem:$0x3FAF] =	sst s2  }
0xb: {  	[smem:$0x3FB0] =	sst s3  }
0xc: {  	[smem:$0x3FB1] =	sst s4  }
0xd: {  	[smem:$0x3FB2] =	sst s5  }
0xe: {  	[smem:$0x3FB3] =	sst s6  }
0xf: {  	[smem:$0x3FB4] =	sst s7  }
0x10: {  	[smem:$0x3FB5] =	sst s8  }
0x11: {  	[smem:$0x3FB6] =	sst s9;
	s0 =	simm.s32 @!p0 $0x0  }
0x12: {  	s1 =	sld [smem:$0x3F9C];
	s0 =	simm.s32 @p0 $0x1  }
0x13: {  	[smem:$0x3FB7] =	sst s0;
	s0 =	simm.s32 @!p1 $0x0  }
0x14: {  	s2 =	sld [smem:$0x3F9B];
	s0 =	simm.s32 @p1 $0x1  }
0x15: {  	[smem:$0x3FB8] =	sst s0;
	s0 =	simm.s32 @!p2 $0x0  }
0x16: {  	s3 =	sld [smem:$0x3FDB];
	s0 =	simm.s32 @p2 $0x1  }
0x17: {  	s4 =	simm.s32 $0x1BF5;
	[smem:$0x3FBA] =	sst s0  }
0x18: {  	s0 =	sld [smem:$0x3F9D];
	_ =	swait.ge [sflag:s4], $0x0  }
0x19: {  	s7 =	sld [smem:$0x3F9E]  }
0x1a: {  	s8 =	sadd.s32 $0xFFFFE003, lr  }
0x1b: {  	s9 =	sadd.s32 $0xFFFFFEF7, lr;
	s5 =	simm.s32 $0xFFFFFFFF;
	p2 =	slt.u32 s8, $0xFFFFF086  }
0x1c: {  	p1 =	slt.u32 s9, $0xF7A;
	s5 =	simm.s32 @!p2 $0x0  }
0x1d: {  	s5 =	simm.s32 @p1 $0x1;
	p0 =	seq.s32 s7, s2  }
0x1e: {  	s7 =	smul.u32 @!p0 $0xF7A, s2;
	p2 =	seq.s32 @!p0 s5, $0x0  }
0x1f: {  	s9 =	smul.u32 $0xF7A, s1;
	s8 =	simm.s32 @!p0 $0x1BF5;
	p2 =	por !p2, p0  }
0x20: {  	[sflag:s8] =	ssyncset.s32 @!p0 $0xFFFFF086;
	s6 =	sadd.s32 @!p0 s3, s7;
	s7 =	simm.s32 @!p0 $0x108  }
0x21: {  	s3 =	sadd.s32 s3, s9;
	s6 =	sadd.s32 @!p0 $0x88, s6;
	s7 =	simm.s32 @p2 $0x1082  }
0x22: {  	[simem:s7], [sflag:s8] =	dma.local @!p0 [hbm:s6], $0xF7A  }
0x23: {  	s9 =	sor.u32 $0xD0000000, s2;
	s6 =	simm.s32 $0x108;
	_ =	swait.ge @!p0 [sflag:s8], $0x0  }
0x24: {  	s3 =	sadd.s32 $0x88, s3;
	s6 =	simm.s32 @!p1 $0x1082;
	[sflag:s4] =	ssyncset.s32 $0xFFFFF086  }
0x25: {  	[simem:s6], [sflag:s4] =	dma.local [hbm:s3], $0xF7A  }
0x26: {  	[smem:$0x3F9E] =	sst s1;
	(tag) =	ssettag s2;
	_ =	strace s9  }
0x27: {  	s1 =	sld [smem:$0x3FAE]  }
0x28: {  	s2 =	sld [smem:$0x3FAF]  }
0x29: {  	s4 =	sld [smem:$0x3FB1]  }
0x2a: {  	p0 =	seq.s32 s5, $0x0;
	s5 =	sld [smem:$0x3FB2]  }
0x2b: {  	s6 =	sld [smem:$0x3FB3]  }
0x2c: {  	s7 =	sld [smem:$0x3FB4]  }
0x2d: {  	s3 =	simm.s32 $0x108;
	s8 =	sld [smem:$0x3FB5]  }
0x2e: {  	s3 =	simm.s32 @!p0 $0x1082;
	s9 =	sld [smem:$0x3FB6]  }
0x2f: {  	lr =	sadd.s32 s0, s3;
	s0 =	sld [smem:$0x3FAD]  }
0x30: {  	s3 =	sld [smem:$0x3FB0]  }
0x31: {  	[smem:$0x3FB9] =	sst s10  }
0x32: {  	s10 =	sld [smem:$0x3FB7];
	_ =	sdelay $0x3  }
0x33: {  	p0 =	seq.s32 s10, $0x1;
	s10 =	sld [smem:$0x3FB9];
	_ =	sdelay $0x3  }
0x34: {  	[smem:$0x3FB9] =	sst s10  }
0x35: {  	s10 =	sld [smem:$0x3FB8];
	_ =	sdelay $0x3  }
0x36: {  	p1 =	seq.s32 s10, $0x1;
	s10 =	sld [smem:$0x3FB9];
	_ =	sdelay $0x3  }
0x37: {  	[smem:$0x3FB9] =	sst s10  }
0x38: {  	s10 =	sld [smem:$0x3FBA]  }
0x39: {  	_ = 	snop;
	(pc) =	sbr.ind lr, $3  }
0x3a: {  	_ = 	snop  }
0x3b: {  	_ = 	snop  }
0x3c: {  	p2 =	seq.s32 s10, $0x1;
	s10 =	sld [smem:$0x3FB9]  }
0x3d: {  	_ =	shalt  }
0x3e: {  	_ =	shalt  }
0x3f: {  	_ =	shalt  }
0x40: {  	_ =	shalt  }
0x41: {  	_ =	shalt  }
0x42: {  	_ =	shalt  }
0x43: {  	_ =	shalt  }
0x44: {  	_ =	shalt  }
0x45: {  	_ =	shalt  }
0x46: {  	_ =	shalt  }
0x47: {  	_ =	shalt  }
0x48: {  	_ =	shalt  }
0x49: {  	_ =	shalt  }
0x4a: {  	_ =	shalt  }
0x4b: {  	_ =	shalt  }
0x4c: {  	_ =	shalt  }
0x4d: {  	_ =	shalt  }
0x4e: {  	_ =	shalt  }
0x4f: {  	_ =	shalt  }
0x50: {  	_ =	shalt  }
0x51: {  	_ =	shalt  }
0x52: {  	_ =	shalt  }
0x53: {  	_ =	shalt  }
0x54: {  	_ =	shalt  }
0x55: {  	_ =	shalt  }
0x56: {  	_ =	shalt  }
0x57: {  	_ =	shalt  }
0x58: {  	_ =	shalt  }
0x59: {  	_ =	shalt  }
0x5a: {  	_ =	shalt  }
0x5b: {  	_ =	shalt  }
0x5c: {  	_ =	shalt  }
0x5d: {  	_ =	shalt  }
0x5e: {  	_ =	shalt  }
0x5f: {  	_ =	shalt  }
0x60: {  	_ =	shalt  }
0x61: {  	_ =	shalt  }
0x62: {  	_ =	shalt  }
0x63: {  	_ =	shalt  }
0x64: {  	_ =	shalt  }
0x65: {  	_ =	shalt  }
0x66: {  	_ =	shalt  }
0x67: {  	_ =	shalt  }
0x68: {  	_ =	shalt  }
0x69: {  	_ =	shalt  }
0x6a: {  	_ =	shalt  }
0x6b: {  	_ =	shalt  }
0x6c: {  	_ =	shalt  }
0x6d: {  	_ =	shalt  }
0x6e: {  	_ =	shalt  }
0x6f: {  	_ =	shalt  }
0x70: {  	_ =	shalt  }
0x71: {  	_ =	shalt  }
0x72: {  	_ =	shalt  }
0x73: {  	_ =	shalt  }
0x74: {  	_ =	shalt  }
0x75: {  	_ =	shalt  }
0x76: {  	_ =	shalt  }
0x77: {  	_ =	shalt  }
0x78: {  	_ =	shalt  }
0x79: {  	_ =	shalt  }
0x7a: {  	_ =	shalt  }
0x7b: {  	_ =	shalt  }
0x7c: {  	_ =	shalt  }
0x7d: {  	_ =	shalt  }
0x7e: {  	_ =	shalt  }
0x7f: {  	_ =	shalt  }
0x80: {  	_ =	shalt  }
0x81: {  	_ =	shalt  }
0x82: {  	_ =	shalt  }
0x83: {  	_ =	shalt  }
0x84: {  	_ =	shalt  }
0x85: {  	_ =	shalt  }
0x86: {  	_ =	shalt  }
0x87: {  	_ =	shalt  }
.Lfunc_end0:
.L_simem_size_0:
called_computation_lowered:
.L_overlay_start_0:
0x88: {  	s2 =	sld [smem:$0x3FD9]  }
0x89: {  	s3 =	sld [smem:$0x3FFE];
	_ =	sdelay $0x1  }
0x8a: {  	s1 =	srdreg.scid  }
0x8b: {  	s0 =	sand.u32 $0x1, s1  }
0x8c: {  	s18 =	sshll.u32 s0, $0xA;
	s2 =	sadd.s32 s3, s2  }
0x8d: {  	s2 =	sadd.s32 s2, s18  }
0x8e: {  	[smem:$0x3FC5] =	sst s2  }
0x8f: {  	_ = 	snop  }
0x90: {  	s2 =	sld [smem:$0x3FC9]  }
0x91: {  	s19 =	sld [smem:$0x3FC8]  }
0x92: {  	s4 =	sld [smem:$0x3FC7]  }
0x93: {  	s5 =	sld [smem:$0x3FD0];
	(tm) =	ssettm $0x1  }
0x94: {  	s6 =	sld [smem:$0x3FFB];
	_ =	sdelay $0x3  }
0x95: {  	_ =	strace s6  }
0x96: {  	s6 =	sld [smem:$0x3FFC];
	_ =	sdelay $0x3  }
0x97: {  	_ =	strace s6  }
0x98: {  	s6 =	sld [smem:$0x3FFD];
	_ =	sdelay $0x3  }
0x99: {  	_ =	strace s6  }
0x9a: {  	_ =	strace $0x8FFFFFFF  }
0x9b: {  	s20 =	sld [smem:$0x3FDB];
	_ =	sdelay $0x1  }
0x9c: {  	s7 =	simm.s32 $_scs_section_size  }
0x9d: {  	s8 =	simm.s32 $_size__tile_overlayer_lowered;
	s9 =	simm.s32 $_tile_overlayer_lowered  }
0x9e: {  	s23 =	simm.s32 $0x1BFF;
	s22 =	sshll.u32 s9, $0x1;
	s6 =	sadd.s32 s7, s20  }
0x9f: {  	s10 =	simm.s32 $0x0;
	s21 =	sshll.u32 s8, $0x1;
	s8 =	sadd.s32 s22, s6  }
0xa0: {  	[timem:s10], [sflag:s23] =	dma.local [hbm:s8], s21  }
0xa1: {  	_ =	swait.ge [sflag:s23], s21  }
0xa2: {  	s7 =	ssub.s32 $0x0, s21;
	[sflag:s23] =	ssyncset.done $0x0  }
0xa3: {  	[sflag:s23] =	ssyncadd.s32 s7;
	_ =	sdelay $0x1  }
0xa4: {  	s24 =	simm.s32 $0x1B8B  }
0xa5: {  	_ =	swait.ge [sflag:s24], $0x1  }
0xa6: {  	[sflag:s24] =	ssyncset.done $0x0  }
0xa7: {  	s25 =	simm.s32 $0x1B8E;
	[sflag:s24] =	ssyncadd.s32 $0xFFFFFFFF  }
0xa8: {  	s26 =	simm.s32 $execute0_lowered;
	[smem:$0x3FD2] =	sst s25  }
0xa9: {  	s7 =	sshll.u32 s26, $0x1;
	_ =	strace $0x80000046;
	[dreg:$0x1] =	wrdreg $0xFFFFFFFF  }
0xaa: {  	s28 =	simm.s32 $_size_execute0_lowered;
	s6 =	sadd.s32 s6, s7;
	[dreg:$0x0] =	wrdreg $0x0  }
0xab: {  	s7 =	sshll.u32 s28, $0x1;
	[dreg:$0x2] =	wrdreg s6  }
0xac: {  	[dreg:$0x3] =	wrdreg s7  }
0xad: {  	[dreg:$0x4] =	wrdreg $0xC0  }
0xae: {  	_ =	task [dreg:s10], $0x5FFFF  }
0xaf: {  	[dreg:$0x1] =	wrdreg $0xFFFFFFFF  }
0xb0: {  	[dreg:$0x0] =	wrdreg $0x60  }
0xb1: {  	[dreg:$0x2] =	wrdreg s2  }
0xb2: {  	[dreg:$0x3] =	wrdreg s19  }
0xb3: {  	[dreg:$0x4] =	wrdreg s4  }
0xb4: {  	[dreg:$0x5] =	wrdreg s5  }
0xb5: {  	[dreg:$0x6] =	wrdreg $0x40800  }
0xb6: {  	[dreg:$0x7] =	wrdreg $0x9  }
0xb7: {  	_ =	task.clear_ibuf [dreg:s10], $0x8FFFF;
	_ =	strace $0x90000046  }
0xb8: {  	s29 =	simm.s32 $0x9;
	_ =	strace $0x80000048  }
0xb9: {  	_ =	swait.ge [sflag:s29], $0x1  }
0xba: {  	[sflag:s29] =	ssyncadd.s32 $0xFFFFFFFF  }
0xbb: {  	_ =	strace $0x90000048  }
0xbc: {  	_ =	sfence  }
0xbd: {  	s30 =	sld [smem:$0x0];
	_ =	sdelay $0x2  }
0xbe: {  	s31 =	sshll.u32 s1, $0xD;
	s1 =	sshrl.u32 s1, $0x2  }
0xbf: {  	s3 =	sand.u32 $0x4000, s31;
	s1 =	sadd.s32 s1, s30  }
0xc0: {  	s0 =	sor.u32 s3, s0;
	s1 =	sshll.u32 s1, $0x11  }
0xc1: {  	s0 =	sor.u32 s1, s0  }
0xc2: {  	s0 =	sadd.s32 $0x8F2B, s0  }
0xc3: {  	[sflag:s0] =	ssyncadd.remote.s32 $0x1  }
0xc4: {  	_ =	sfence.sel $0xFFFF  }
0xc5: {  	[dreg:$0x0] =	wrdreg $0xFFFFFFFF;
	(pc) =	sbr.abs _section_cstart, $3  }
0xc6: {  	[dreg:$0x1] =	wrdreg $0xFFFFFFFF  }
0xc7: {  	_ =	task.clear_ibuf [dreg:s10], $0x2FFFF;
	_ =	strace $0x9FFFFFFF  }
0xc8: {  	(tm) =	ssettm $0x7FFFFFFF  }
0xc9: {  	_ =	shalt  }
tec
execute0_lowered:
.L_overlay_start_1:
0x0: {  	(tag) =	ssettag $0x1  }
0x1: {  	s1 =	rddreg [dreg:$0x0]  }
0x2: {  	s7 =	rddreg [dreg:$0x1]  }
0x3: {  	s6 =	rddreg [dreg:$0x2]  }
0x4: {  	s8 =	rddreg [dreg:$0x3];
	s3 =	srdreg.scid  }
0x5: {  	s2 =	rddreg [dreg:$0x4];
	s9 =	sand.u32 $0x1, s3;
	s3 =	stileid.u32  }
0x6: {  	s0 =	rddreg [dreg:$0x5];
	s4 =	simm.s32 $0x0;
	s10 =	smul.u32 $0x50000, s3  }
0x7: {  	[smem:$0x7FF] =	sst s4;
	s12 =	smul.u32 $0x14000, s3  }
0x8: {  	s5 =	ssub.s32 $0x2, s9;
	_ =	strace $0x80000047;
	s13 =	smul.u32 $0x140000, s9  }
0x9: {  	s30 =	sshll.u32 s3, $0x5;
	s9 =	sshll.u32 s9, $0x4;
	s11 =	sshrl.u32 s5, $0x1  }
0xa: {  	s31 =	sshll.u32 s3, $0x6;
	s11 =	ssub.s32 s5, s11;
	s10 =	sshrl.u32 s10, $0x2  }
0xb: {  	s5 =	sshll.u32 s3, $0x1;
	s28 =	sshrl.u32 s12, $0x3;
	s29 =	sadd.s32 s12, s13  }
0xc: {  	s12 =	sadd.s32 s30, s7;
	s14 =	sadd.s32 s10, s2;
	s6 =	sadd.s32 s6, s28  }
0xd: {  	s10 =	sshrl.u32 s29, $0x3;
	s9 =	sadd.s32 s9, s12;
	s12 =	sor.u32 $0x1C01, s31  }
0xe: {  	s7 =	sadd.s32 s8, s10;
	s8 =	smax.u32 s11, $0x1;
	s10 =	simm.s32 $0x80  }
0xf: {  	s11 =	simm.s32 $0x1;
	s13 =	sshrl.u32 s14, $0x3;
	s14 =	simm.s32 $0x0  }
.LBB2_1:
0x10: {  	[tilespmem:s10], [sflag:$0x1] =	stream.linear.gather [hbm4b:s1+s4], $0x4000, $0x38;
	[tilespmem:$0x18080] =	vst v63  }
0x11: {  	_ =	swait.ge [sflag:s11], $0x4000  }
0x12: {  	[sflag:s11] =	ssyncset.done $0x0  }
0x13: {  	[sflag:s11] =	ssyncadd.s32 $0xFFFFC000  }
0x14: {  	[spmem:s13], [sflag:s12] =	dma.local [hbm:s6], $0x2800  }
0x15: {  	_ =	swait.ge [sflag:s11], $0x2800  }
0x16: {  	s15 =	sadd.s32 $0x0, s5;
	[sflag:s11] =	ssyncset.done $0x0  }
0x17: {  	p0 =	sgt.u32 s15, $0x9C3;
	[sflag:s11] =	ssyncadd.s32 $0xFFFFD800  }
0x18: {  	s16 =	simm.s32 @!p0 $0x0;
	s17 =	simm.s32 @!p0 $0x2;
	[bflag:$0x0] =	sbarrier.arrive $0xFFFF  }
0x19: {  	[tilespmem:s16], [sflag:$0x2] =	stream.linear.gather @!p0 [hbm4b:s9+s16], $0x80, $0x38;
	[tilespmem:$0x18080] =	vst v63  }
0x1a: {  	_ =	swait.ge @!p0 [sflag:s17], $0x80  }
0x1b: {  	s31 =	sadd.s32 $0x20, s5;
	[sflag:s17] =	ssyncset.done @!p0 $0x0  }
0x1c: {  	s18 =	simm.s32 @!p0 $0x80;
	[sflag:s17] =	ssyncadd.s32 @!p0 $0xFFFFFF80;
	s17 =	simm.s32 @!p0 $0x1  }
0x1d: {  	[spmem:s2] =	stream.indirect.scatter.add.f32 @!p0 [tilespmem:s18], [sflag:$0x1], $0x80, s16, s18, $0xb8;
	[tilespmem:$0x18080] =	vst v63  }
0x1e: {  	s15 =	simm.s32 $0x40;
	p1 =	por p0, p0;
	_ =	swait.ge @!p0 [sflag:s17], $0x4000  }
0x1f: {  	s16 =	sadd.s32 $0x200, s9;
	p0 =	sgt.u32 s31, $0x9C3;
	[sflag:s17] =	ssyncset.done @!p1 $0x0  }
.LBB2_2:
0x20: {  	s18 =	simm.s32 @!p0 $0x0;
	s19 =	simm.s32 @!p0 $0x2  }
0x21: {  	[sflag:s17] =	ssyncadd.s32 @!p1 $0xFFFFC000;
	s20 =	smov.u32 s15;
	s15 =	sadd.s32 $0x20, s15  }
0x22: {  	[tilespmem:s18], [sflag:$0x2] =	stream.linear.gather @!p0 [hbm4b:s16+s18], $0x80, $0x38;
	[tilespmem:$0x18080] =	vst v63  }
0x23: {  	p2 =	sne.s32 s15, $0x9E0;
	_ =	swait.ge @!p0 [sflag:s19], $0x80  }
.Ltmp0:
0x24: {  	[sflag:s19] =	ssyncset.done @!p0 $0x0;
	(pc) =	sbr.rel @p2 .LBB2_2-.Ltmp0, $4  }
0x25: {  	s17 =	simm.s32 @!p0 $0x1;
	[sflag:s19] =	ssyncadd.s32 @!p0 $0xFFFFFF80;
	s19 =	simm.s32 @!p0 $0x80  }
0x26: {  	[spmem:s2] =	stream.indirect.scatter.add.f32 @!p0 [tilespmem:s19], [sflag:$0x1], $0x80, s18, s19, $0xb8;
	[tilespmem:$0x18080] =	vst v63  }
0x27: {  	p1 =	por p0, p0;
	s18 =	sadd.s32 s20, s5;
	_ =	swait.ge @!p0 [sflag:s17], $0x4000  }
0x28: {  	s16 =	sadd.s32 $0x200, s16;
	p0 =	sgt.u32 s18, $0x9C3;
	[sflag:s17] =	ssyncset.done @!p1 $0x0  }
0x29: {  	s15 =	simm.s32 @!p0 $0x0;
	s18 =	simm.s32 @!p0 $0x2;
	[sflag:s17] =	ssyncadd.s32 @!p1 $0xFFFFC000  }
0x2a: {  	[tilespmem:s15], [sflag:$0x2] =	stream.linear.gather @!p0 [hbm4b:s16+s15], $0x80, $0x38;
	[tilespmem:$0x18080] =	vst v63  }
0x2b: {  	_ =	swait.ge @!p0 [sflag:s18], $0x80  }
0x2c: {  	[sflag:s18] =	ssyncset.done @!p0 $0x0  }
0x2d: {  	s17 =	simm.s32 @!p0 $0x1;
	s16 =	simm.s32 @!p0 $0x80;
	[sflag:s18] =	ssyncadd.s32 @!p0 $0xFFFFFF80  }
0x2e: {  	[spmem:s2] =	stream.indirect.scatter.add.f32 @!p0 [tilespmem:s16], [sflag:$0x1], $0x80, s15, s16, $0xb8;
	[tilespmem:$0x18080] =	vst v63  }
0x2f: {  	_ =	swait.ge @!p0 [sflag:s17], $0x4000;
	p0 =	por p0, p0  }
0x30: {  	s14 =	sadd.s32 $0x1, s14;
	[sflag:s17] =	ssyncset.done @!p0 $0x0  }
0x31: {  	[sflag:s17] =	ssyncadd.s32 @!p0 $0xFFFFC000;
	p0 =	sne.s32 s14, s8  }
.Ltmp1:
0x32: {  	[bflag:$0x0] =	sbarrier.arrive $0xFFFF;
	(pc) =	sbr.rel @p0 .LBB2_1-.Ltmp1, $4  }
0x33: {  	[hbm:s7], [sflag:s12] =	dma.local [spmem:s13], $0x2800  }
0x34: {  	_ =	swait.ge [sflag:s11], $0x2800  }
0x35: {  	[sflag:s11] =	ssyncset.done $0x0  }
0x36: {  	[sflag:s11] =	ssyncadd.s32 $0xFFFFD800  }
0x37: {  	_ =	sfence.sel $0x180000  }
0x38: {  	[bflag:$0x0] =	sbarrier.arrive $0xFFFF  }
0x39: {  	p0 =	sne.s32 s3, $0x0;
	_ =	strace $0x90000047  }
0x3a: {  	s0 =	sadd.s32 @!p0 $0x100000, s0;
	[bflag:$0x2] =	sbarrier.arrive $0xFFFF  }
0x3b: {  	[sflag:s0] =	ssyncadd.tile.s32 @!p0 $0x1;
	_ =	shalt  }
.Lfunc_end2:
_tile_overlayer_lowered:
.L_overlay_start_2:
0x3c: {  	(tag) =	ssettag $0x2  }
0x3d: {  	s0 =	rddreg [dreg:$0x0];
	s2 =	stileid.u32  }
0x3e: {  	s1 =	rddreg [dreg:$0x1];
	p0 =	sne.s32 s2, $0x0  }
0x3f: {  	s3 =	rddreg [dreg:$0x2];
	[bflag:$0x3] =	sbarrier.arrive $0xFFFF;
	s2 =	simm.s32 @!p0 $0x1C01  }
0x40: {  	[timem:s3], [sflag:s2] =	dma.local @!p0 [hbm:s0], s1  }
0x41: {  	s0 =	simm.s32 @!p0 $0x1  }
0x42: {  	_ =	swait.ge @!p0 [sflag:s0], s1  }
0x43: {  	s1 =	ssub.s32 @!p0 $0x0, s1;
	[sflag:s0] =	ssyncset.done @!p0 $0x0  }
0x44: {  	[sflag:s0] =	ssyncadd.s32 @!p0 s1  }
0x45: {  	[bflag:$0x3] =	sbarrier.arrive $0xFFFF  }
0x46: {  	_ =	shalt  }

</sc_bundles>
